<compile_context>
chip_gen: v7x
topology: tpu7x:2x2x1
jax: 0.10.2.dev20260603
libtpu: 0.0.44.dev20260713+nightly
codegen_flags: <defaults>
</compile_context>

<pallas_src>
import functools

import jax
import jax.numpy as jnp
from jax import lax
from jax.experimental import pallas as pl
from jax.experimental.pallas import tpu as pltpu
from jax.experimental.pallas import tpu_sc as plsc

_N_PAD = 1024
_B = 16384
_LANES = 16


def _mlp_table_body(embt_ref, w1_ref, b1_ref, w2_ref, b2_ref, w3_ref, b3_ref,
                    w4_ref, b4_ref, w5_ref, b5_ref, w6_ref, b6_ref, out_ref):
    n = embt_ref.shape[1]
    et = embt_ref[...]
    w1 = w1_ref[...]
    h = (et[0:1, :] * w1[0:1, :].T + et[1:2, :] * w1[1:2, :].T
         + b1_ref[...].reshape(-1, 1))
    h = jnp.maximum(h, 0.0)
    for w_ref, b_ref in ((w2_ref, b2_ref), (w3_ref, b3_ref),
                         (w4_ref, b4_ref), (w5_ref, b5_ref)):
        h = lax.dot_general(w_ref[...], h, (((0,), (0,)), ((), ())),
                            preferred_element_type=jnp.float32)
        h = jnp.maximum(h + b_ref[...].reshape(-1, 1), 0.0)
    logits = jnp.sum(h * w6_ref[...].reshape(-1, 1), axis=0) + b6_ref[...]
    sig = jax.nn.sigmoid(logits)
    out_ref[...] = jnp.concatenate([sig, jnp.zeros((_N_PAD - n,), jnp.float32)])


def _make_gather_kernel():
    info = plsc.get_sparse_core_info()
    num_cores = 1
    nw = num_cores * info.num_subcores
    b_per_w = _B // nw
    mesh = plsc.VectorSubcoreMesh(core_axis_name="c", subcore_axis_name="s",
                                  num_cores=num_cores)

    @functools.partial(
        pl.kernel,
        mesh=mesh,
        compiler_params=pltpu.CompilerParams(needs_layout_passes=False,
                                             skip_device_barrier=True),
        out_type=jax.ShapeDtypeStruct((_B,), jnp.float32),
        scratch_types=[
            pltpu.VMEM((b_per_w,), jnp.int32),
            pltpu.VMEM((_N_PAD,), jnp.float32),
            pltpu.VMEM((b_per_w,), jnp.float32),
            pltpu.SemaphoreType.DMA,
            pltpu.SemaphoreType.DMA,
        ],
    )
    def gather_k(table_hbm, idx_hbm, out_hbm, idx_v, table_v, out_v,
                 sem_i, sem_t):
        wid = lax.axis_index("s") * num_cores + lax.axis_index("c")
        base = wid * b_per_w
        cp_i = pltpu.async_copy(idx_hbm.at[pl.ds(base, b_per_w)], idx_v, sem_i)
        cp_t = pltpu.async_copy(table_hbm, table_v, sem_t)
        cp_i.wait()
        cp_t.wait()

        def body(i, _):
            idx16 = idx_v[pl.ds(i * _LANES, _LANES)]
            out_v[pl.ds(i * _LANES, _LANES)] = plsc.load_gather(table_v, [idx16])
            return _

        half = b_per_w // 2
        n_half = half // _LANES
        lax.fori_loop(0, n_half, body, None, unroll=4)
        cp_o1 = pltpu.async_copy(out_v.at[pl.ds(0, half)],
                                 out_hbm.at[pl.ds(base, half)], sem_i)
        lax.fori_loop(n_half, 2 * n_half, body, None, unroll=4)
        cp_o2 = pltpu.async_copy(out_v.at[pl.ds(half, half)],
                                 out_hbm.at[pl.ds(base + half, half)], sem_t)
        cp_o1.wait()
        cp_o2.wait()

    return gather_k


_gather_kernel = None


def kernel(x, emb, W1, b1, W2, b2, W3, b3, W4, b4, W5, b5, W6, b6):
    global _gather_kernel
    table = pl.pallas_call(
        _mlp_table_body,
        out_shape=jax.ShapeDtypeStruct((_N_PAD,), jnp.float32),
    )(emb.T, W1, b1, W2, b2, W3, b3, W4, b4, W5, b5, W6.reshape(-1), b6)

    if _gather_kernel is None:
        _gather_kernel = _make_gather_kernel()
    return _gather_kernel(table, x.astype(jnp.int32))

# --- scband reference (transcript-rebuilt; emitter-appended) ---
"""Pipeline reference for scband-py-torch-embed-network-57629871178278 (READ-ONLY COPY).

The authoritative reference and input builder live on the scoring server;
editing this copy changes nothing except your own understanding.
"""

import jax, jax.numpy as jnp
import numpy as np

N_USERS = 1000
EMBED_DIM = 2
HIDDEN = 20
BATCH = 16384


def setup_inputs(seed: int = 0) -> dict:
    key = jax.random.key(seed)
    ks = jax.random.split(key, 16)
    x = jax.random.randint(ks[0], (BATCH,), 0, N_USERS, dtype=jnp.int64 if jax.config.jax_enable_x64 else jnp.int32)
    emb = jax.random.normal(ks[1], (N_USERS, EMBED_DIM), dtype=jnp.float32)
    W1 = jax.random.normal(ks[2], (EMBED_DIM, HIDDEN), dtype=jnp.float32) * 0.1
    b1 = jnp.zeros((HIDDEN,), dtype=jnp.float32)
    W2 = jax.random.normal(ks[3], (HIDDEN, HIDDEN), dtype=jnp.float32) * 0.1
    b2 = jnp.zeros((HIDDEN,), dtype=jnp.float32)
    W3 = jax.random.normal(ks[4], (HIDDEN, HIDDEN), dtype=jnp.float32) * 0.1
    b3 = jnp.zeros((HIDDEN,), dtype=jnp.float32)
    W4 = jax.random.normal(ks[5], (HIDDEN, HIDDEN), dtype=jnp.float32) * 0.1
    b4 = jnp.zeros((HIDDEN,), dtype=jnp.float32)
    W5 = jax.random.normal(ks[6], (HIDDEN, HIDDEN), dtype=jnp.float32) * 0.1
    b5 = jnp.zeros((HIDDEN,), dtype=jnp.float32)
    W6 = jax.random.normal(ks[7], (HIDDEN, 1), dtype=jnp.float32) * 0.1
    b6 = jnp.zeros((1,), dtype=jnp.float32)
    return {"x": x, "emb": emb, "W1": W1, "b1": b1, "W2": W2, "b2": b2, "W3": W3, "b3": b3, "W4": W4, "b4": b4, "W5": W5, "b5": b5, "W6": W6, "b6": b6}


def reference(x, emb, W1, b1, W2, b2, W3, b3, W4, b4, W5, b5, W6, b6):
    # embedding lookup (gather)
    h = jnp.take(emb, x, axis=0)  # [B, 2]
    h = jax.nn.relu(h @ W1 + b1)
    h = jax.nn.relu(h @ W2 + b2)
    h = jax.nn.relu(h @ W3 + b3)
    h = jax.nn.relu(h @ W4 + b4)
    h = jax.nn.relu(h @ W5 + b5)
    logits = h @ W6 + b6  # [B, 1]
    logits = logits.reshape(-1)  # flatten
    return jax.nn.sigmoid(logits)

if __name__ == "__main__":
    import jax
    _d = setup_inputs()
    print(jax.jit(kernel)(*tuple(_d.values())))

</pallas_src>

<mosaic_0001>
#map = affine_map<(d0, d1) -> (0)>
module attributes {stable_mosaic.version = 14 : i64} {
  func.func @gather_k(%arg0: i32, %arg1: i32, %arg2: memref<1024xf32, #tpu.memory_space<hbm>>, %arg3: memref<16384xi32, #tpu.memory_space<hbm>>, %arg4: memref<16384xf32, #tpu.memory_space<hbm>>, %arg5: memref<1024xi32, #tpu.memory_space<vmem>>, %arg6: memref<1024xf32, #tpu.memory_space<vmem>>, %arg7: memref<1024xf32, #tpu.memory_space<vmem>>, %arg8: memref<!tpu.dma_semaphore, #tpu.memory_space<semaphore_mem>>, %arg9: memref<!tpu.dma_semaphore, #tpu.memory_space<semaphore_mem>>) attributes {dimension_semantics = [#tpu.dimension_semantics<core_parallel>, #tpu.dimension_semantics<subcore_parallel>], iteration_bounds = array<i64: 1, 16>, scalar_prefetch = 0 : i64, scratch_operands = 5 : i64, tpu.core_type = #tpu.core_type<sc_vector_subcore>, window_params = [{transform_indices = #map}, {transform_indices = #map}, {transform_indices = #map}]} {
    %mul3A = arith.constant 1 : i32
    %mul3A_0 = arith.muli %arg1, %mul3A : i32
    %add3A = arith.addi %mul3A_0, %arg0 : i32
    %mul3A_1 = arith.constant 1024 : i32
    %mul3A_2 = arith.muli %add3A, %mul3A_1 : i32
    %dma_start3A = tpu.memref_slice %arg3[%mul3A_2] : memref<16384xi32, #tpu.memory_space<hbm>> -> memref<1024xi32, #tpu.memory_space<hbm>>
    %dma_start3A_3 = tpu.memref_slice %arg3[%mul3A_2] : memref<16384xi32, #tpu.memory_space<hbm>> -> memref<1024xi32, #tpu.memory_space<hbm>>
    tpu.enqueue_dma source(%dma_start3A_3 : memref<1024xi32, #tpu.memory_space<hbm>>) target(%arg5 : memref<1024xi32, #tpu.memory_space<vmem>>) target_semaphore(%arg8 : memref<!tpu.dma_semaphore, #tpu.memory_space<semaphore_mem>>)
    tpu.enqueue_dma source(%arg2 : memref<1024xf32, #tpu.memory_space<hbm>>) target(%arg6 : memref<1024xf32, #tpu.memory_space<vmem>>) target_semaphore(%arg9 : memref<!tpu.dma_semaphore, #tpu.memory_space<semaphore_mem>>)
    %dma_wait3A = tpu.memref_slice %arg3[%mul3A_2] : memref<16384xi32, #tpu.memory_space<hbm>> -> memref<1024xi32, #tpu.memory_space<hbm>>
    %dma_wait3A_4 = tpu.memref_slice %arg3[%mul3A_2] : memref<16384xi32, #tpu.memory_space<hbm>> -> memref<1024xi32, #tpu.memory_space<hbm>>
    tpu.wait_dma2 semaphore(%arg8 : memref<!tpu.dma_semaphore, #tpu.memory_space<semaphore_mem>>) src(%dma_wait3A_4 : memref<1024xi32, #tpu.memory_space<hbm>>) dst(%arg5 : memref<1024xi32, #tpu.memory_space<vmem>>)
    tpu.wait_dma2 semaphore(%arg9 : memref<!tpu.dma_semaphore, #tpu.memory_space<semaphore_mem>>) src(%arg2 : memref<1024xf32, #tpu.memory_space<hbm>>) dst(%arg6 : memref<1024xf32, #tpu.memory_space<vmem>>)
    %scan3A = arith.constant 0 : i32
    %scan3A_5 = arith.constant 32 : i32
    %scan3A_6 = arith.addi %scan3A, %scan3A_5 : i32
    %scan3A_7 = arith.constant 4 : i32
    scf.for %scan3A_40 = %scan3A to %scan3A_6 step %scan3A_7  : i32 {
      %mul3A_41 = arith.constant 16 : i32
      %mul3A_42 = arith.muli %scan3A_40, %mul3A_41 : i32
      %get3A = arith.index_cast %mul3A_42 : i32 to index
      %get3A_43 = tpu.vector_load %arg5[%get3A] {strides = array<i32>} : memref<1024xi32, #tpu.memory_space<vmem>>, vector<16xi32>,
      %gather3A = tpu.vector_load_idx %arg6[%get3A_43] : memref<1024xf32, #tpu.memory_space<vmem>>[vector<16xi32>], vector<16xf32>,
      %mul3A_44 = arith.constant 16 : i32
      %mul3A_45 = arith.muli %scan3A_40, %mul3A_44 : i32
      %swap3A = arith.index_cast %mul3A_45 : i32 to index
      %swap3A_46 = tpu.vector_load %arg7[%swap3A] {strides = array<i32>} : memref<1024xf32, #tpu.memory_space<vmem>>, vector<16xf32>,
      tpu.vector_store %arg7[%swap3A], %gather3A {strides = array<i32>} : memref<1024xf32, #tpu.memory_space<vmem>>, vector<16xf32>,
      %scan3A_47 = arith.constant 1 : i32
      %scan3A_48 = arith.addi %scan3A_40, %scan3A_47 : i32
      %mul3A_49 = arith.constant 16 : i32
      %mul3A_50 = arith.muli %scan3A_48, %mul3A_49 : i32
      %get3A_51 = arith.index_cast %mul3A_50 : i32 to index
      %get3A_52 = tpu.vector_load %arg5[%get3A_51] {strides = array<i32>} : memref<1024xi32, #tpu.memory_space<vmem>>, vector<16xi32>,
      %gather3A_53 = tpu.vector_load_idx %arg6[%get3A_52] : memref<1024xf32, #tpu.memory_space<vmem>>[vector<16xi32>], vector<16xf32>,
      %mul3A_54 = arith.constant 16 : i32
      %mul3A_55 = arith.muli %scan3A_48, %mul3A_54 : i32
      %swap3A_56 = arith.index_cast %mul3A_55 : i32 to index
      %swap3A_57 = tpu.vector_load %arg7[%swap3A_56] {strides = array<i32>} : memref<1024xf32, #tpu.memory_space<vmem>>, vector<16xf32>,
      tpu.vector_store %arg7[%swap3A_56], %gather3A_53 {strides = array<i32>} : memref<1024xf32, #tpu.memory_space<vmem>>, vector<16xf32>,
      %scan3A_58 = arith.constant 2 : i32
      %scan3A_59 = arith.addi %scan3A_40, %scan3A_58 : i32
      %mul3A_60 = arith.constant 16 : i32
      %mul3A_61 = arith.muli %scan3A_59, %mul3A_60 : i32
      %get3A_62 = arith.index_cast %mul3A_61 : i32 to index
      %get3A_63 = tpu.vector_load %arg5[%get3A_62] {strides = array<i32>} : memref<1024xi32, #tpu.memory_space<vmem>>, vector<16xi32>,
      %gather3A_64 = tpu.vector_load_idx %arg6[%get3A_63] : memref<1024xf32, #tpu.memory_space<vmem>>[vector<16xi32>], vector<16xf32>,
      %mul3A_65 = arith.constant 16 : i32
      %mul3A_66 = arith.muli %scan3A_59, %mul3A_65 : i32
      %swap3A_67 = arith.index_cast %mul3A_66 : i32 to index
      %swap3A_68 = tpu.vector_load %arg7[%swap3A_67] {strides = array<i32>} : memref<1024xf32, #tpu.memory_space<vmem>>, vector<16xf32>,
      tpu.vector_store %arg7[%swap3A_67], %gather3A_64 {strides = array<i32>} : memref<1024xf32, #tpu.memory_space<vmem>>, vector<16xf32>,
      %scan3A_69 = arith.constant 3 : i32
      %scan3A_70 = arith.addi %scan3A_40, %scan3A_69 : i32
      %mul3A_71 = arith.constant 16 : i32
      %mul3A_72 = arith.muli %scan3A_70, %mul3A_71 : i32
      %get3A_73 = arith.index_cast %mul3A_72 : i32 to index
      %get3A_74 = tpu.vector_load %arg5[%get3A_73] {strides = array<i32>} : memref<1024xi32, #tpu.memory_space<vmem>>, vector<16xi32>,
      %gather3A_75 = tpu.vector_load_idx %arg6[%get3A_74] : memref<1024xf32, #tpu.memory_space<vmem>>[vector<16xi32>], vector<16xf32>,
      %mul3A_76 = arith.constant 16 : i32
      %mul3A_77 = arith.muli %scan3A_70, %mul3A_76 : i32
      %swap3A_78 = arith.index_cast %mul3A_77 : i32 to index
      %swap3A_79 = tpu.vector_load %arg7[%swap3A_78] {strides = array<i32>} : memref<1024xf32, #tpu.memory_space<vmem>>, vector<16xf32>,
      tpu.vector_store %arg7[%swap3A_78], %gather3A_75 {strides = array<i32>} : memref<1024xf32, #tpu.memory_space<vmem>>, vector<16xf32>,
    }
    %scan3A_8 = arith.constant 32 : i32
    %dma_start3A_9 = arith.constant 0 : i32
    %dma_start3A_10 = tpu.memref_slice %arg7[%dma_start3A_9] : memref<1024xf32, #tpu.memory_space<vmem>> -> memref<512xf32, #tpu.memory_space<vmem>>
    %dma_start3A_11 = tpu.memref_slice %arg4[%mul3A_2] : memref<16384xf32, #tpu.memory_space<hbm>> -> memref<512xf32, #tpu.memory_space<hbm>>
    %dma_start3A_12 = tpu.memref_slice %arg4[%mul3A_2] : memref<16384xf32, #tpu.memory_space<hbm>> -> memref<512xf32, #tpu.memory_space<hbm>>
    %dma_start3A_13 = arith.constant 0 : i32
    %dma_start3A_14 = tpu.memref_slice %arg7[%dma_start3A_13] : memref<1024xf32, #tpu.memory_space<vmem>> -> memref<512xf32, #tpu.memory_space<vmem>>
    tpu.enqueue_dma source(%dma_start3A_14 : memref<512xf32, #tpu.memory_space<vmem>>) target(%dma_start3A_12 : memref<512xf32, #tpu.memory_space<hbm>>) target_semaphore(%arg8 : memref<!tpu.dma_semaphore, #tpu.memory_space<semaphore_mem>>)
    %scan3A_15 = arith.constant 32 : i32
    %scan3A_16 = arith.constant 32 : i32
    %scan3A_17 = arith.addi %scan3A_15, %scan3A_16 : i32
    %scan3A_18 = arith.constant 4 : i32
    scf.for %scan3A_40 = %scan3A_15 to %scan3A_17 step %scan3A_18  : i32 {
      %mul3A_41 = arith.constant 16 : i32
      %mul3A_42 = arith.muli %scan3A_40, %mul3A_41 : i32
      %get3A = arith.index_cast %mul3A_42 : i32 to index
      %get3A_43 = tpu.vector_load %arg5[%get3A] {strides = array<i32>} : memref<1024xi32, #tpu.memory_space<vmem>>, vector<16xi32>,
      %gather3A = tpu.vector_load_idx %arg6[%get3A_43] : memref<1024xf32, #tpu.memory_space<vmem>>[vector<16xi32>], vector<16xf32>,
      %mul3A_44 = arith.constant 16 : i32
      %mul3A_45 = arith.muli %scan3A_40, %mul3A_44 : i32
      %swap3A = arith.index_cast %mul3A_45 : i32 to index
      %swap3A_46 = tpu.vector_load %arg7[%swap3A] {strides = array<i32>} : memref<1024xf32, #tpu.memory_space<vmem>>, vector<16xf32>,
      tpu.vector_store %arg7[%swap3A], %gather3A {strides = array<i32>} : memref<1024xf32, #tpu.memory_space<vmem>>, vector<16xf32>,
      %scan3A_47 = arith.constant 1 : i32
      %scan3A_48 = arith.addi %scan3A_40, %scan3A_47 : i32
      %mul3A_49 = arith.constant 16 : i32
      %mul3A_50 = arith.muli %scan3A_48, %mul3A_49 : i32
      %get3A_51 = arith.index_cast %mul3A_50 : i32 to index
      %get3A_52 = tpu.vector_load %arg5[%get3A_51] {strides = array<i32>} : memref<1024xi32, #tpu.memory_space<vmem>>, vector<16xi32>,
      %gather3A_53 = tpu.vector_load_idx %arg6[%get3A_52] : memref<1024xf32, #tpu.memory_space<vmem>>[vector<16xi32>], vector<16xf32>,
      %mul3A_54 = arith.constant 16 : i32
      %mul3A_55 = arith.muli %scan3A_48, %mul3A_54 : i32
      %swap3A_56 = arith.index_cast %mul3A_55 : i32 to index
      %swap3A_57 = tpu.vector_load %arg7[%swap3A_56] {strides = array<i32>} : memref<1024xf32, #tpu.memory_space<vmem>>, vector<16xf32>,
      tpu.vector_store %arg7[%swap3A_56], %gather3A_53 {strides = array<i32>} : memref<1024xf32, #tpu.memory_space<vmem>>, vector<16xf32>,
      %scan3A_58 = arith.constant 2 : i32
      %scan3A_59 = arith.addi %scan3A_40, %scan3A_58 : i32
      %mul3A_60 = arith.constant 16 : i32
      %mul3A_61 = arith.muli %scan3A_59, %mul3A_60 : i32
      %get3A_62 = arith.index_cast %mul3A_61 : i32 to index
      %get3A_63 = tpu.vector_load %arg5[%get3A_62] {strides = array<i32>} : memref<1024xi32, #tpu.memory_space<vmem>>, vector<16xi32>,
      %gather3A_64 = tpu.vector_load_idx %arg6[%get3A_63] : memref<1024xf32, #tpu.memory_space<vmem>>[vector<16xi32>], vector<16xf32>,
      %mul3A_65 = arith.constant 16 : i32
      %mul3A_66 = arith.muli %scan3A_59, %mul3A_65 : i32
      %swap3A_67 = arith.index_cast %mul3A_66 : i32 to index
      %swap3A_68 = tpu.vector_load %arg7[%swap3A_67] {strides = array<i32>} : memref<1024xf32, #tpu.memory_space<vmem>>, vector<16xf32>,
      tpu.vector_store %arg7[%swap3A_67], %gather3A_64 {strides = array<i32>} : memref<1024xf32, #tpu.memory_space<vmem>>, vector<16xf32>,
      %scan3A_69 = arith.constant 3 : i32
      %scan3A_70 = arith.addi %scan3A_40, %scan3A_69 : i32
      %mul3A_71 = arith.constant 16 : i32
      %mul3A_72 = arith.muli %scan3A_70, %mul3A_71 : i32
      %get3A_73 = arith.index_cast %mul3A_72 : i32 to index
      %get3A_74 = tpu.vector_load %arg5[%get3A_73] {strides = array<i32>} : memref<1024xi32, #tpu.memory_space<vmem>>, vector<16xi32>,
      %gather3A_75 = tpu.vector_load_idx %arg6[%get3A_74] : memref<1024xf32, #tpu.memory_space<vmem>>[vector<16xi32>], vector<16xf32>,
      %mul3A_76 = arith.constant 16 : i32
      %mul3A_77 = arith.muli %scan3A_70, %mul3A_76 : i32
      %swap3A_78 = arith.index_cast %mul3A_77 : i32 to index
      %swap3A_79 = tpu.vector_load %arg7[%swap3A_78] {strides = array<i32>} : memref<1024xf32, #tpu.memory_space<vmem>>, vector<16xf32>,
      tpu.vector_store %arg7[%swap3A_78], %gather3A_75 {strides = array<i32>} : memref<1024xf32, #tpu.memory_space<vmem>>, vector<16xf32>,
    }
    %scan3A_19 = arith.constant 32 : i32
    %add3A_20 = arith.constant 512 : i32
    %add3A_21 = arith.addi %mul3A_2, %add3A_20 : i32
    %dma_start3A_22 = arith.constant 512 : i32
    %dma_start3A_23 = tpu.memref_slice %arg7[%dma_start3A_22] : memref<1024xf32, #tpu.memory_space<vmem>> -> memref<512xf32, #tpu.memory_space<vmem>>
    %dma_start3A_24 = tpu.memref_slice %arg4[%add3A_21] : memref<16384xf32, #tpu.memory_space<hbm>> -> memref<512xf32, #tpu.memory_space<hbm>>
    %dma_start3A_25 = tpu.memref_slice %arg4[%add3A_21] : memref<16384xf32, #tpu.memory_space<hbm>> -> memref<512xf32, #tpu.memory_space<hbm>>
    %dma_start3A_26 = arith.constant 512 : i32
    %dma_start3A_27 = tpu.memref_slice %arg7[%dma_start3A_26] : memref<1024xf32, #tpu.memory_space<vmem>> -> memref<512xf32, #tpu.memory_space<vmem>>
    tpu.enqueue_dma source(%dma_start3A_27 : memref<512xf32, #tpu.memory_space<vmem>>) target(%dma_start3A_25 : memref<512xf32, #tpu.memory_space<hbm>>) target_semaphore(%arg9 : memref<!tpu.dma_semaphore, #tpu.memory_space<semaphore_mem>>)
    %dma_wait3A_28 = arith.constant 0 : i32
    %dma_wait3A_29 = tpu.memref_slice %arg7[%dma_wait3A_28] : memref<1024xf32, #tpu.memory_space<vmem>> -> memref<512xf32, #tpu.memory_space<vmem>>
    %dma_wait3A_30 = tpu.memref_slice %arg4[%mul3A_2] : memref<16384xf32, #tpu.memory_space<hbm>> -> memref<512xf32, #tpu.memory_space<hbm>>
    %dma_wait3A_31 = tpu.memref_slice %arg4[%mul3A_2] : memref<16384xf32, #tpu.memory_space<hbm>> -> memref<512xf32, #tpu.memory_space<hbm>>
    %dma_wait3A_32 = arith.constant 0 : i32
    %dma_wait3A_33 = tpu.memref_slice %arg7[%dma_wait3A_32] : memref<1024xf32, #tpu.memory_space<vmem>> -> memref<512xf32, #tpu.memory_space<vmem>>
    tpu.wait_dma2 semaphore(%arg8 : memref<!tpu.dma_semaphore, #tpu.memory_space<semaphore_mem>>) src(%dma_wait3A_33 : memref<512xf32, #tpu.memory_space<vmem>>) dst(%dma_wait3A_31 : memref<512xf32, #tpu.memory_space<hbm>>)
    %dma_wait3A_34 = arith.constant 512 : i32
    %dma_wait3A_35 = tpu.memref_slice %arg7[%dma_wait3A_34] : memref<1024xf32, #tpu.memory_space<vmem>> -> memref<512xf32, #tpu.memory_space<vmem>>
    %dma_wait3A_36 = tpu.memref_slice %arg4[%add3A_21] : memref<16384xf32, #tpu.memory_space<hbm>> -> memref<512xf32, #tpu.memory_space<hbm>>
    %dma_wait3A_37 = tpu.memref_slice %arg4[%add3A_21] : memref<16384xf32, #tpu.memory_space<hbm>> -> memref<512xf32, #tpu.memory_space<hbm>>
    %dma_wait3A_38 = arith.constant 512 : i32
    %dma_wait3A_39 = tpu.memref_slice %arg7[%dma_wait3A_38] : memref<1024xf32, #tpu.memory_space<vmem>> -> memref<512xf32, #tpu.memory_space<vmem>>
    tpu.wait_dma2 semaphore(%arg9 : memref<!tpu.dma_semaphore, #tpu.memory_space<semaphore_mem>>) src(%dma_wait3A_39 : memref<512xf32, #tpu.memory_space<vmem>>) dst(%dma_wait3A_37 : memref<512xf32, #tpu.memory_space<hbm>>)
    return
  }
}

module attributes {stable_mosaic.version = 14 : i64} {
  func.func @_mlp_table_body(%arg0: memref<2x1000xf32, #tpu.memory_space<vmem>>, %arg1: memref<2x20xf32, #tpu.memory_space<vmem>>, %arg2: memref<20xf32, #tpu.memory_space<vmem>>, %arg3: memref<20x20xf32, #tpu.memory_space<vmem>>, %arg4: memref<20xf32, #tpu.memory_space<vmem>>, %arg5: memref<20x20xf32, #tpu.memory_space<vmem>>, %arg6: memref<20xf32, #tpu.memory_space<vmem>>, %arg7: memref<20x20xf32, #tpu.memory_space<vmem>>, %arg8: memref<20xf32, #tpu.memory_space<vmem>>, %arg9: memref<20x20xf32, #tpu.memory_space<vmem>>, %arg10: memref<20xf32, #tpu.memory_space<vmem>>, %arg11: memref<20xf32, #tpu.memory_space<vmem>>, %arg12: memref<1xf32, #tpu.memory_space<vmem>>, %arg13: memref<1024xf32, #tpu.memory_space<vmem>>) attributes {dimension_semantics = [], scalar_prefetch = 0 : i64, scratch_operands = 0 : i64, tpu.core_type = #tpu.core_type<tc>} {
    %get3A = arith.constant 0 : index
    %get3A_0 = arith.constant 0 : index
    %get3A_1 = vector.load %arg0[%get3A, %get3A_0] : memref<2x1000xf32, #tpu.memory_space<vmem>>, vector<2x1000xf32>
    %get3A_2 = arith.constant 0 : index
    %get3A_3 = arith.constant 0 : index
    %get3A_4 = vector.load %arg1[%get3A_2, %get3A_3] : memref<2x20xf32, #tpu.memory_space<vmem>>, vector<2x20xf32>
    %slice3A = vector.extract_strided_slice %get3A_1 {offsets = [0, 0], sizes = [1, 1000], strides = [1, 1]} : vector<2x1000xf32> to vector<1x1000xf32>
    %slice3A_5 = vector.extract_strided_slice %get3A_4 {offsets = [0, 0], sizes = [1, 20], strides = [1, 1]} : vector<2x20xf32> to vector<1x20xf32>
    %transpose3A = tpu.transpose %slice3A_5, [1, 0] : vector<1x20xf32> -> vector<20x1xf32>
    %mul3A = vector.broadcast %slice3A : vector<1x1000xf32> to vector<20x1000xf32>
    %mul3A_6 = vector.broadcast %transpose3A : vector<20x1xf32> to vector<20x1000xf32>
    %mul3A_7 = arith.mulf %mul3A, %mul3A_6 : vector<20x1000xf32>
    %slice3A_8 = vector.extract_strided_slice %get3A_1 {offsets = [1, 0], sizes = [1, 1000], strides = [1, 1]} : vector<2x1000xf32> to vector<1x1000xf32>
    %slice3A_9 = vector.extract_strided_slice %get3A_4 {offsets = [1, 0], sizes = [1, 20], strides = [1, 1]} : vector<2x20xf32> to vector<1x20xf32>
    %transpose3A_10 = tpu.transpose %slice3A_9, [1, 0] : vector<1x20xf32> -> vector<20x1xf32>
    %mul3A_11 = vector.broadcast %slice3A_8 : vector<1x1000xf32> to vector<20x1000xf32>
    %mul3A_12 = vector.broadcast %transpose3A_10 : vector<20x1xf32> to vector<20x1000xf32>
    %mul3A_13 = arith.mulf %mul3A_11, %mul3A_12 : vector<20x1000xf32>
    %add3A = arith.addf %mul3A_7, %mul3A_13 : vector<20x1000xf32>
    %get3A_14 = arith.constant 0 : index
    %get3A_15 = vector.load %arg2[%get3A_14] : memref<20xf32, #tpu.memory_space<vmem>>, vector<20xf32>
    %reshape3A = vector.shape_cast %get3A_15 : vector<20xf32> to vector<20x1xf32>
    %add3A_16 = vector.broadcast %reshape3A : vector<20x1xf32> to vector<20x1000xf32>
    %add3A_17 = arith.addf %add3A, %add3A_16 : vector<20x1000xf32>
    %max3A = arith.constant 0.000000e+00 : f32
    %max3A_18 = vector.broadcast %max3A : f32 to vector<20x1000xf32>
    %max3A_19 = arith.maximumf %add3A_17, %max3A_18 : vector<20x1000xf32>
    %get3A_20 = arith.constant 0 : index
    %get3A_21 = arith.constant 0 : index
    %get3A_22 = vector.load %arg3[%get3A_20, %get3A_21] : memref<20x20xf32, #tpu.memory_space<vmem>>, vector<20x20xf32>
    %dot_general3A = arith.constant dense<0.000000e+00> : vector<20x1000xf32>
    %dot_general3A_23 = tpu.matmul %get3A_22, %max3A_19, %dot_general3A {dimension_numbers = #tpu.dot_dimension_numbers<[0], [0], [1], [1], [0, 1, 1, 1], [], []>, transpose_lhs_hint = false} : vector<20x20xf32>, vector<20x1000xf32>, vector<20x1000xf32> -> vector<20x1000xf32>
    %get3A_24 = arith.constant 0 : index
    %get3A_25 = vector.load %arg4[%get3A_24] : memref<20xf32, #tpu.memory_space<vmem>>, vector<20xf32>
    %reshape3A_26 = vector.shape_cast %get3A_25 : vector<20xf32> to vector<20x1xf32>
    %add3A_27 = vector.broadcast %reshape3A_26 : vector<20x1xf32> to vector<20x1000xf32>
    %add3A_28 = arith.addf %dot_general3A_23, %add3A_27 : vector<20x1000xf32>
    %max3A_29 = arith.constant 0.000000e+00 : f32
    %max3A_30 = vector.broadcast %max3A_29 : f32 to vector<20x1000xf32>
    %max3A_31 = arith.maximumf %add3A_28, %max3A_30 : vector<20x1000xf32>
    %get3A_32 = arith.constant 0 : index
    %get3A_33 = arith.constant 0 : index
    %get3A_34 = vector.load %arg5[%get3A_32, %get3A_33] : memref<20x20xf32, #tpu.memory_space<vmem>>, vector<20x20xf32>
    %dot_general3A_35 = arith.constant dense<0.000000e+00> : vector<20x1000xf32>
    %dot_general3A_36 = tpu.matmul %get3A_34, %max3A_31, %dot_general3A_35 {dimension_numbers = #tpu.dot_dimension_numbers<[0], [0], [1], [1], [0, 1, 1, 1], [], []>, transpose_lhs_hint = false} : vector<20x20xf32>, vector<20x1000xf32>, vector<20x1000xf32> -> vector<20x1000xf32>
    %get3A_37 = arith.constant 0 : index
    %get3A_38 = vector.load %arg6[%get3A_37] : memref<20xf32, #tpu.memory_space<vmem>>, vector<20xf32>
    %reshape3A_39 = vector.shape_cast %get3A_38 : vector<20xf32> to vector<20x1xf32>
    %add3A_40 = vector.broadcast %reshape3A_39 : vector<20x1xf32> to vector<20x1000xf32>
    %add3A_41 = arith.addf %dot_general3A_36, %add3A_40 : vector<20x1000xf32>
    %max3A_42 = arith.constant 0.000000e+00 : f32
    %max3A_43 = vector.broadcast %max3A_42 : f32 to vector<20x1000xf32>
    %max3A_44 = arith.maximumf %add3A_41, %max3A_43 : vector<20x1000xf32>
    %get3A_45 = arith.constant 0 : index
    %get3A_46 = arith.constant 0 : index
    %get3A_47 = vector.load %arg7[%get3A_45, %get3A_46] : memref<20x20xf32, #tpu.memory_space<vmem>>, vector<20x20xf32>
    %dot_general3A_48 = arith.constant dense<0.000000e+00> : vector<20x1000xf32>
    %dot_general3A_49 = tpu.matmul %get3A_47, %max3A_44, %dot_general3A_48 {dimension_numbers = #tpu.dot_dimension_numbers<[0], [0], [1], [1], [0, 1, 1, 1], [], []>, transpose_lhs_hint = false} : vector<20x20xf32>, vector<20x1000xf32>, vector<20x1000xf32> -> vector<20x1000xf32>
    %get3A_50 = arith.constant 0 : index
    %get3A_51 = vector.load %arg8[%get3A_50] : memref<20xf32, #tpu.memory_space<vmem>>, vector<20xf32>
    %reshape3A_52 = vector.shape_cast %get3A_51 : vector<20xf32> to vector<20x1xf32>
    %add3A_53 = vector.broadcast %reshape3A_52 : vector<20x1xf32> to vector<20x1000xf32>
    %add3A_54 = arith.addf %dot_general3A_49, %add3A_53 : vector<20x1000xf32>
    %max3A_55 = arith.constant 0.000000e+00 : f32
    %max3A_56 = vector.broadcast %max3A_55 : f32 to vector<20x1000xf32>
    %max3A_57 = arith.maximumf %add3A_54, %max3A_56 : vector<20x1000xf32>
    %get3A_58 = arith.constant 0 : index
    %get3A_59 = arith.constant 0 : index
    %get3A_60 = vector.load %arg9[%get3A_58, %get3A_59] : memref<20x20xf32, #tpu.memory_space<vmem>>, vector<20x20xf32>
    %dot_general3A_61 = arith.constant dense<0.000000e+00> : vector<20x1000xf32>
    %dot_general3A_62 = tpu.matmul %get3A_60, %max3A_57, %dot_general3A_61 {dimension_numbers = #tpu.dot_dimension_numbers<[0], [0], [1], [1], [0, 1, 1, 1], [], []>, transpose_lhs_hint = false} : vector<20x20xf32>, vector<20x1000xf32>, vector<20x1000xf32> -> vector<20x1000xf32>
    %get3A_63 = arith.constant 0 : index
    %get3A_64 = vector.load %arg10[%get3A_63] : memref<20xf32, #tpu.memory_space<vmem>>, vector<20xf32>
    %reshape3A_65 = vector.shape_cast %get3A_64 : vector<20xf32> to vector<20x1xf32>
    %add3A_66 = vector.broadcast %reshape3A_65 : vector<20x1xf32> to vector<20x1000xf32>
    %add3A_67 = arith.addf %dot_general3A_62, %add3A_66 : vector<20x1000xf32>
    %max3A_68 = arith.constant 0.000000e+00 : f32
    %max3A_69 = vector.broadcast %max3A_68 : f32 to vector<20x1000xf32>
    %max3A_70 = arith.maximumf %add3A_67, %max3A_69 : vector<20x1000xf32>
    %get3A_71 = arith.constant 0 : index
    %get3A_72 = vector.load %arg11[%get3A_71] : memref<20xf32, #tpu.memory_space<vmem>>, vector<20xf32>
    %reshape3A_73 = vector.shape_cast %get3A_72 : vector<20xf32> to vector<20x1xf32>
    %mul3A_74 = vector.broadcast %reshape3A_73 : vector<20x1xf32> to vector<20x1000xf32>
    %mul3A_75 = arith.mulf %max3A_70, %mul3A_74 : vector<20x1000xf32>
    %reduce_sum3A = arith.constant dense<0.000000e+00> : vector<1000xf32>
    %reduce_sum3A_76 = vector.multi_reduction <add>, %mul3A_75, %reduce_sum3A [0] : vector<20x1000xf32> to vector<1000xf32>
    %get3A_77 = arith.constant 0 : index
    %get3A_78 = vector.load %arg12[%get3A_77] : memref<1xf32, #tpu.memory_space<vmem>>, vector<1xf32>
    %add3A_79 = vector.broadcast %get3A_78 : vector<1xf32> to vector<1000xf32>
    %add3A_80 = arith.addf %reduce_sum3A_76, %add3A_79 : vector<1000xf32>
    %logistic3A = arith.negf %add3A_80 : vector<1000xf32>
    %logistic3A_81 = math.exp %logistic3A : vector<1000xf32>
    %logistic3A_82 = arith.constant 1.000000e+00 : f32
    %logistic3A_83 = vector.broadcast %logistic3A_82 : f32 to vector<1000xf32>
    %logistic3A_84 = arith.addf %logistic3A_83, %logistic3A_81 : vector<1000xf32>
    %logistic3A_85 = arith.divf %logistic3A_83, %logistic3A_84 : vector<1000xf32>
    %broadcast_in_dim3A = arith.constant 0.000000e+00 : f32
    %broadcast_in_dim3A_86 = vector.broadcast %broadcast_in_dim3A : f32 to vector<24xf32>
    %concatenate3A = tpu.concatenate %logistic3A_85, %broadcast_in_dim3A_86 in 0 : vector<1000xf32>, vector<24xf32> -> vector<1024xf32>
    %swap3A = arith.constant 0 : index
    %swap3A_87 = vector.load %arg13[%swap3A] : memref<1024xf32, #tpu.memory_space<vmem>>, vector<1024xf32>
    tpu.vector_store %arg13[%swap3A], %concatenate3A {strides = array<i32>} : memref<1024xf32, #tpu.memory_space<vmem>>, vector<1024xf32>,
    return
  }
}

</mosaic_0001>

<sc_bundles>
// kernel: kernel.4.cloned.1.call-start
scs
__scs_entry_jumppad:
0x0: {  	(pc) =	sbr.rel $0x88, $3  }
0x1: {  	(tag) =	ssettag $0x0;
	lr =	simm.s32 $0x1  }
0x2: {  	[smem:$0x3F93] =	sst lr;
	_ =	strace $0xD0000000  }
0x3: {  	_ = 	snop  }
0x4: {  	_ = 	snop  }
0x5: {  	_ = 	snop  }
0x6: {  	_ = 	snop  }
0x7: {  	_ = 	snop  }
__scs_overlays_trampoline_lowered:
0x8: {  	[smem:$0x3FA2] =	sst s0  }
0x9: {  	[smem:$0x3FA3] =	sst s1  }
0xa: {  	[smem:$0x3FA4] =	sst s2  }
0xb: {  	[smem:$0x3FA5] =	sst s3  }
0xc: {  	[smem:$0x3FA6] =	sst s4  }
0xd: {  	[smem:$0x3FA7] =	sst s5  }
0xe: {  	[smem:$0x3FA8] =	sst s6  }
0xf: {  	[smem:$0x3FA9] =	sst s7  }
0x10: {  	[smem:$0x3FAA] =	sst s8  }
0x11: {  	[smem:$0x3FAB] =	sst s9;
	s0 =	simm.s32 @!p0 $0x0  }
0x12: {  	s1 =	sld [smem:$0x3F91];
	s0 =	simm.s32 @p0 $0x1  }
0x13: {  	[smem:$0x3FAC] =	sst s0;
	s0 =	simm.s32 @!p1 $0x0  }
0x14: {  	s2 =	sld [smem:$0x3F90];
	s0 =	simm.s32 @p1 $0x1  }
0x15: {  	[smem:$0x3FAD] =	sst s0;
	s0 =	simm.s32 @!p2 $0x0  }
0x16: {  	s3 =	sld [smem:$0x3FDB];
	s0 =	simm.s32 @p2 $0x1  }
0x17: {  	s4 =	simm.s32 $0x1BF5;
	[smem:$0x3FAF] =	sst s0  }
0x18: {  	s0 =	sld [smem:$0x3F92];
	_ =	swait.ge [sflag:s4], $0x0  }
0x19: {  	s7 =	sld [smem:$0x3F93]  }
0x1a: {  	s8 =	sadd.s32 $0xFFFFE003, lr  }
0x1b: {  	s9 =	sadd.s32 $0xFFFFFEF7, lr;
	s5 =	simm.s32 $0xFFFFFFFF;
	p2 =	slt.u32 s8, $0xFFFFF086  }
0x1c: {  	p1 =	slt.u32 s9, $0xF7A;
	s5 =	simm.s32 @!p2 $0x0  }
0x1d: {  	s5 =	simm.s32 @p1 $0x1;
	p0 =	seq.s32 s7, s2  }
0x1e: {  	s7 =	smul.u32 @!p0 $0xF7A, s2;
	p2 =	seq.s32 @!p0 s5, $0x0  }
0x1f: {  	s9 =	smul.u32 $0xF7A, s1;
	s8 =	simm.s32 @!p0 $0x1BF5;
	p2 =	por !p2, p0  }
0x20: {  	[sflag:s8] =	ssyncset.s32 @!p0 $0xFFFFF086;
	s6 =	sadd.s32 @!p0 s3, s7;
	s7 =	simm.s32 @!p0 $0x108  }
0x21: {  	s3 =	sadd.s32 s3, s9;
	s6 =	sadd.s32 @!p0 $0x88, s6;
	s7 =	simm.s32 @p2 $0x1082  }
0x22: {  	[simem:s7], [sflag:s8] =	dma.local @!p0 [hbm:s6], $0xF7A  }
0x23: {  	s9 =	sor.u32 $0xD0000000, s2;
	s6 =	simm.s32 $0x108;
	_ =	swait.ge @!p0 [sflag:s8], $0x0  }
0x24: {  	s3 =	sadd.s32 $0x88, s3;
	s6 =	simm.s32 @!p1 $0x1082;
	[sflag:s4] =	ssyncset.s32 $0xFFFFF086  }
0x25: {  	[simem:s6], [sflag:s4] =	dma.local [hbm:s3], $0xF7A  }
0x26: {  	[smem:$0x3F93] =	sst s1;
	(tag) =	ssettag s2;
	_ =	strace s9  }
0x27: {  	s1 =	sld [smem:$0x3FA3]  }
0x28: {  	s2 =	sld [smem:$0x3FA4]  }
0x29: {  	s4 =	sld [smem:$0x3FA6]  }
0x2a: {  	p0 =	seq.s32 s5, $0x0;
	s5 =	sld [smem:$0x3FA7]  }
0x2b: {  	s6 =	sld [smem:$0x3FA8]  }
0x2c: {  	s7 =	sld [smem:$0x3FA9]  }
0x2d: {  	s3 =	simm.s32 $0x108;
	s8 =	sld [smem:$0x3FAA]  }
0x2e: {  	s3 =	simm.s32 @!p0 $0x1082;
	s9 =	sld [smem:$0x3FAB]  }
0x2f: {  	lr =	sadd.s32 s0, s3;
	s0 =	sld [smem:$0x3FA2]  }
0x30: {  	s3 =	sld [smem:$0x3FA5]  }
0x31: {  	[smem:$0x3FAE] =	sst s10  }
0x32: {  	s10 =	sld [smem:$0x3FAC];
	_ =	sdelay $0x3  }
0x33: {  	p0 =	seq.s32 s10, $0x1;
	s10 =	sld [smem:$0x3FAE];
	_ =	sdelay $0x3  }
0x34: {  	[smem:$0x3FAE] =	sst s10  }
0x35: {  	s10 =	sld [smem:$0x3FAD];
	_ =	sdelay $0x3  }
0x36: {  	p1 =	seq.s32 s10, $0x1;
	s10 =	sld [smem:$0x3FAE];
	_ =	sdelay $0x3  }
0x37: {  	[smem:$0x3FAE] =	sst s10  }
0x38: {  	s10 =	sld [smem:$0x3FAF]  }
0x39: {  	_ = 	snop;
	(pc) =	sbr.ind lr, $3  }
0x3a: {  	_ = 	snop  }
0x3b: {  	_ = 	snop  }
0x3c: {  	p2 =	seq.s32 s10, $0x1;
	s10 =	sld [smem:$0x3FAE]  }
0x3d: {  	_ =	shalt  }
0x3e: {  	_ =	shalt  }
0x3f: {  	_ =	shalt  }
0x40: {  	_ =	shalt  }
0x41: {  	_ =	shalt  }
0x42: {  	_ =	shalt  }
0x43: {  	_ =	shalt  }
0x44: {  	_ =	shalt  }
0x45: {  	_ =	shalt  }
0x46: {  	_ =	shalt  }
0x47: {  	_ =	shalt  }
0x48: {  	_ =	shalt  }
0x49: {  	_ =	shalt  }
0x4a: {  	_ =	shalt  }
0x4b: {  	_ =	shalt  }
0x4c: {  	_ =	shalt  }
0x4d: {  	_ =	shalt  }
0x4e: {  	_ =	shalt  }
0x4f: {  	_ =	shalt  }
0x50: {  	_ =	shalt  }
0x51: {  	_ =	shalt  }
0x52: {  	_ =	shalt  }
0x53: {  	_ =	shalt  }
0x54: {  	_ =	shalt  }
0x55: {  	_ =	shalt  }
0x56: {  	_ =	shalt  }
0x57: {  	_ =	shalt  }
0x58: {  	_ =	shalt  }
0x59: {  	_ =	shalt  }
0x5a: {  	_ =	shalt  }
0x5b: {  	_ =	shalt  }
0x5c: {  	_ =	shalt  }
0x5d: {  	_ =	shalt  }
0x5e: {  	_ =	shalt  }
0x5f: {  	_ =	shalt  }
0x60: {  	_ =	shalt  }
0x61: {  	_ =	shalt  }
0x62: {  	_ =	shalt  }
0x63: {  	_ =	shalt  }
0x64: {  	_ =	shalt  }
0x65: {  	_ =	shalt  }
0x66: {  	_ =	shalt  }
0x67: {  	_ =	shalt  }
0x68: {  	_ =	shalt  }
0x69: {  	_ =	shalt  }
0x6a: {  	_ =	shalt  }
0x6b: {  	_ =	shalt  }
0x6c: {  	_ =	shalt  }
0x6d: {  	_ =	shalt  }
0x6e: {  	_ =	shalt  }
0x6f: {  	_ =	shalt  }
0x70: {  	_ =	shalt  }
0x71: {  	_ =	shalt  }
0x72: {  	_ =	shalt  }
0x73: {  	_ =	shalt  }
0x74: {  	_ =	shalt  }
0x75: {  	_ =	shalt  }
0x76: {  	_ =	shalt  }
0x77: {  	_ =	shalt  }
0x78: {  	_ =	shalt  }
0x79: {  	_ =	shalt  }
0x7a: {  	_ =	shalt  }
0x7b: {  	_ =	shalt  }
0x7c: {  	_ =	shalt  }
0x7d: {  	_ =	shalt  }
0x7e: {  	_ =	shalt  }
0x7f: {  	_ =	shalt  }
0x80: {  	_ =	shalt  }
0x81: {  	_ =	shalt  }
0x82: {  	_ =	shalt  }
0x83: {  	_ =	shalt  }
0x84: {  	_ =	shalt  }
0x85: {  	_ =	shalt  }
0x86: {  	_ =	shalt  }
0x87: {  	_ =	shalt  }
.Lfunc_end0:
.L_simem_size_0:
called_computation_lowered:
.L_overlay_start_0:
0x88: {  	s0 =	sld [smem:$0x3FD9]  }
0x89: {  	s1 =	sld [smem:$0x3FFE];
	_ =	sdelay $0x3  }
0x8a: {  	s0 =	sadd.s32 s1, s0  }
0x8b: {  	[smem:$0x3FBA] =	sst s0  }
0x8c: {  	_ = 	snop  }
0x8d: {  	s0 =	sld [smem:$0x3FC9]  }
0x8e: {  	s16 =	sld [smem:$0x3FD0];
	(tm) =	ssettm $0x1  }
0x8f: {  	s2 =	sld [smem:$0x3FFB];
	_ =	sdelay $0x3  }
0x90: {  	_ =	strace s2  }
0x91: {  	s2 =	sld [smem:$0x3FFC];
	_ =	sdelay $0x3  }
0x92: {  	_ =	strace s2  }
0x93: {  	s2 =	sld [smem:$0x3FFD];
	_ =	sdelay $0x3  }
0x94: {  	_ =	strace s2  }
0x95: {  	_ =	strace $0x8FFFFFFF  }
0x96: {  	s17 =	sld [smem:$0x3FDB];
	_ =	sdelay $0x1  }
0x97: {  	s3 =	simm.s32 $_scs_section_size  }
0x98: {  	s4 =	simm.s32 $_size__tile_overlayer_lowered;
	s5 =	simm.s32 $_tile_overlayer_lowered  }
0x99: {  	s20 =	simm.s32 $0x1BFF;
	s19 =	sshll.u32 s5, $0x1;
	s2 =	sadd.s32 s3, s17  }
0x9a: {  	s6 =	simm.s32 $0x0;
	s18 =	sshll.u32 s4, $0x1;
	s4 =	sadd.s32 s19, s2  }
0x9b: {  	[timem:s6], [sflag:s20] =	dma.local [hbm:s4], s18  }
0x9c: {  	_ =	swait.ge [sflag:s20], s18  }
0x9d: {  	s3 =	ssub.s32 $0x0, s18;
	[sflag:s20] =	ssyncset.done $0x0  }
0x9e: {  	[sflag:s20] =	ssyncadd.s32 s3;
	_ =	sdelay $0x1  }
0x9f: {  	s21 =	simm.s32 $0x1B8B  }
0xa0: {  	_ =	swait.ge [sflag:s21], $0x1  }
0xa1: {  	[sflag:s21] =	ssyncset.done $0x0  }
0xa2: {  	s23 =	simm.s32 $0x1B8E;
	s22 =	sld [smem:$0x3FFE];
	[sflag:s21] =	ssyncadd.s32 $0xFFFFFFFF  }
0xa3: {  	s24 =	simm.s32 $execute0_lowered;
	[smem:$0x3FD2] =	sst s23  }
0xa4: {  	s4 =	sshll.u32 s24, $0x1;
	_ =	strace $0x80000046;
	[dreg:$0x1] =	wrdreg $0xFFFFFFFF  }
0xa5: {  	s25 =	simm.s32 $_size_execute0_lowered;
	s2 =	sadd.s32 s2, s4;
	[dreg:$0x0] =	wrdreg $0x0  }
0xa6: {  	s4 =	sshll.u32 s25, $0x1;
	[dreg:$0x2] =	wrdreg s2  }
0xa7: {  	[dreg:$0x3] =	wrdreg s4  }
0xa8: {  	[dreg:$0x4] =	wrdreg $0xC0  }
0xa9: {  	_ =	task [dreg:s6], $0x5FFFF  }
0xaa: {  	[dreg:$0x1] =	wrdreg $0xFFFFFFFF  }
0xab: {  	[dreg:$0x0] =	wrdreg $0x60  }
0xac: {  	[dreg:$0x2] =	wrdreg s22  }
0xad: {  	[dreg:$0x3] =	wrdreg s0  }
0xae: {  	[dreg:$0x4] =	wrdreg s16  }
0xaf: {  	[dreg:$0x5] =	wrdreg $0x9  }
0xb0: {  	_ =	task.clear_ibuf [dreg:s6], $0x6FFFF;
	_ =	strace $0x90000046  }
0xb1: {  	s26 =	simm.s32 $0x9;
	_ =	strace $0x80000048  }
0xb2: {  	_ =	swait.ge [sflag:s26], $0x1  }
0xb3: {  	[sflag:s26] =	ssyncadd.s32 $0xFFFFFFFF  }
0xb4: {  	_ =	strace $0x90000048  }
0xb5: {  	_ =	sfence  }
0xb6: {  	s28 =	sld [smem:$0x0];
	_ =	sdelay $0x1  }
0xb7: {  	s29 =	srdreg.scid  }
0xb8: {  	s30 =	sshll.u32 s29, $0xD;
	s31 =	sshrl.u32 s29, $0x2  }
0xb9: {  	s1 =	sand.u32 $0x1, s29;
	s2 =	sand.u32 $0x4000, s30;
	s0 =	sadd.s32 s31, s28  }
0xba: {  	s1 =	sor.u32 s2, s1;
	s0 =	sshll.u32 s0, $0x11  }
0xbb: {  	s0 =	sor.u32 s0, s1  }
0xbc: {  	s0 =	sadd.s32 $0x8F2B, s0  }
0xbd: {  	[sflag:s0] =	ssyncadd.remote.s32 $0x1  }
0xbe: {  	_ =	sfence.sel $0xFFFF  }
0xbf: {  	[dreg:$0x0] =	wrdreg $0xFFFFFFFF;
	(pc) =	sbr.abs _section_cstart, $3  }
0xc0: {  	[dreg:$0x1] =	wrdreg $0xFFFFFFFF  }
0xc1: {  	_ =	task.clear_ibuf [dreg:s6], $0x2FFFF;
	_ =	strace $0x9FFFFFFF  }
0xc2: {  	(tm) =	ssettm $0x7FFFFFFF  }
0xc3: {  	_ =	shalt  }
tec
execute0_lowered:
.L_overlay_start_1:
0x0: {  	(tag) =	ssettag $0x1  }
0x1: {  	s3 =	rddreg [dreg:$0x0]  }
0x2: {  	s4 =	rddreg [dreg:$0x1]  }
0x3: {  	s6 =	rddreg [dreg:$0x2];
	s2 =	simm.s32 $0x0;
	s1 =	stileid.u32  }
0x4: {  	[smem:$0x7FF] =	sst s2;
	s7 =	sshll.u32 s1, $0x7  }
0x5: {  	s0 =	rddreg [dreg:$0x3];
	_ =	strace $0x80000047;
	s4 =	sadd.s32 s4, s7  }
0x6: {  	[tilespmem:s2], [sflag:$0x1] =	stream.linear.gather [hbm4b:s4+s2], $0x400, $0x38;
	[tilespmem:$0xC00] =	vst v63  }
0x7: {  	s5 =	simm.s32 $0x400;
	s26 =	simm.s32 $0x1;
	s3 =	sadd.s32 $0x1E00, s3  }
0x8: {  	[tilespmem:s5], [sflag:$0x2] =	stream.linear.gather [hbm4b:s3+s2], $0x400, $0x38;
	[tilespmem:$0xC00] =	vst v63  }
0x9: {  	_ =	swait.ge [sflag:s26], $0x400  }
0xa: {  	[sflag:s26] =	ssyncset.done $0x0  }
0xb: {  	s28 =	simm.s32 $0x2;
	[sflag:s26] =	ssyncadd.s32 $0xFFFFFC00  }
0xc: {  	_ =	swait.ge [sflag:s28], $0x400  }
0xd: {  	[sflag:s28] =	ssyncset.done $0x0  }
0xe: {  	[sflag:s28] =	ssyncadd.s32 $0xFFFFFC00  }
0xf: {  	v0 =	vld [tilespmem:$0x0];
	_ =	sdelay $0x5  }
0x10: {  	v1 =	vld [tilespmem:$0x10];
	_ =	sdelay $0x1  }
0x11: {  	v0 =	vld.idx.msk [tilespmem:v0+s5+$0x0], $0xffff;
	_ =	sdelay $0x3  }
0x12: {  	v2 =	vld [tilespmem:$0x20]  }
0x13: {  	[tilespmem:$0x800] =	vst v0  }
0x14: {  	v0 =	vld.idx.msk [tilespmem:v1+s5+$0x0], $0xffff;
	_ =	sdelay $0x3  }
0x15: {  	v63 =	vld [tilespmem:$0x30]  }
0x16: {  	[tilespmem:$0x810] =	vst v0  }
0x17: {  	v0 =	vld.idx.msk [tilespmem:v2+s5+$0x0], $0xffff;
	_ =	sdelay $0x3  }
0x18: {  	v4 =	vld [tilespmem:$0x40]  }
0x19: {  	[tilespmem:$0x820] =	vst v0  }
0x1a: {  	v0 =	vld.idx.msk [tilespmem:v63+s5+$0x0], $0xffff;
	_ =	sdelay $0x3  }
0x1b: {  	v5 =	vld [tilespmem:$0x50]  }
0x1c: {  	[tilespmem:$0x830] =	vst v0  }
0x1d: {  	v0 =	vld.idx.msk [tilespmem:v4+s5+$0x0], $0xffff;
	_ =	sdelay $0x3  }
0x1e: {  	v6 =	vld [tilespmem:$0x60]  }
0x1f: {  	[tilespmem:$0x840] =	vst v0  }
0x20: {  	v0 =	vld.idx.msk [tilespmem:v5+s5+$0x0], $0xffff;
	_ =	sdelay $0x3  }
0x21: {  	v7 =	vld [tilespmem:$0x70]  }
0x22: {  	[tilespmem:$0x850] =	vst v0  }
0x23: {  	v0 =	vld.idx.msk [tilespmem:v6+s5+$0x0], $0xffff;
	_ =	sdelay $0x3  }
0x24: {  	v8 =	vld [tilespmem:$0x80]  }
0x25: {  	[tilespmem:$0x860] =	vst v0  }
0x26: {  	v0 =	vld.idx.msk [tilespmem:v7+s5+$0x0], $0xffff;
	_ =	sdelay $0x3  }
0x27: {  	v9 =	vld [tilespmem:$0x90]  }
0x28: {  	[tilespmem:$0x870] =	vst v0  }
0x29: {  	v0 =	vld.idx.msk [tilespmem:v8+s5+$0x0], $0xffff;
	_ =	sdelay $0x3  }
0x2a: {  	v10 =	vld [tilespmem:$0xA0]  }
0x2b: {  	[tilespmem:$0x880] =	vst v0  }
0x2c: {  	v0 =	vld.idx.msk [tilespmem:v9+s5+$0x0], $0xffff;
	_ =	sdelay $0x3  }
0x2d: {  	v11 =	vld [tilespmem:$0xB0]  }
0x2e: {  	[tilespmem:$0x890] =	vst v0  }
0x2f: {  	v0 =	vld.idx.msk [tilespmem:v10+s5+$0x0], $0xffff;
	_ =	sdelay $0x3  }
0x30: {  	v12 =	vld [tilespmem:$0xC0]  }
0x31: {  	[tilespmem:$0x8A0] =	vst v0  }
0x32: {  	v0 =	vld.idx.msk [tilespmem:v11+s5+$0x0], $0xffff;
	_ =	sdelay $0x3  }
0x33: {  	v13 =	vld [tilespmem:$0xD0]  }
0x34: {  	[tilespmem:$0x8B0] =	vst v0  }
0x35: {  	v0 =	vld.idx.msk [tilespmem:v12+s5+$0x0], $0xffff;
	_ =	sdelay $0x3  }
0x36: {  	v14 =	vld [tilespmem:$0xE0]  }
0x37: {  	[tilespmem:$0x8C0] =	vst v0  }
0x38: {  	v0 =	vld.idx.msk [tilespmem:v13+s5+$0x0], $0xffff;
	_ =	sdelay $0x3  }
0x39: {  	v15 =	vld [tilespmem:$0xF0]  }
0x3a: {  	[tilespmem:$0x8D0] =	vst v0  }
0x3b: {  	v0 =	vld.idx.msk [tilespmem:v14+s5+$0x0], $0xffff;
	_ =	sdelay $0x3  }
0x3c: {  	v16 =	vld [tilespmem:$0x100]  }
0x3d: {  	[tilespmem:$0x8E0] =	vst v0  }
0x3e: {  	v0 =	vld.idx.msk [tilespmem:v15+s5+$0x0], $0xffff;
	_ =	sdelay $0x3  }
0x3f: {  	v17 =	vld [tilespmem:$0x110]  }
0x40: {  	[tilespmem:$0x8F0] =	vst v0  }
0x41: {  	v0 =	vld.idx.msk [tilespmem:v16+s5+$0x0], $0xffff;
	_ =	sdelay $0x3  }
0x42: {  	v18 =	vld [tilespmem:$0x120]  }
0x43: {  	[tilespmem:$0x900] =	vst v0  }
0x44: {  	v0 =	vld.idx.msk [tilespmem:v17+s5+$0x0], $0xffff;
	_ =	sdelay $0x3  }
0x45: {  	v19 =	vld [tilespmem:$0x130]  }
0x46: {  	[tilespmem:$0x910] =	vst v0  }
0x47: {  	v0 =	vld.idx.msk [tilespmem:v18+s5+$0x0], $0xffff;
	_ =	sdelay $0x3  }
0x48: {  	v20 =	vld [tilespmem:$0x140]  }
0x49: {  	[tilespmem:$0x920] =	vst v0  }
0x4a: {  	v0 =	vld.idx.msk [tilespmem:v19+s5+$0x0], $0xffff;
	_ =	sdelay $0x3  }
0x4b: {  	v21 =	vld [tilespmem:$0x150]  }
0x4c: {  	[tilespmem:$0x930] =	vst v0  }
0x4d: {  	v0 =	vld.idx.msk [tilespmem:v20+s5+$0x0], $0xffff;
	_ =	sdelay $0x3  }
0x4e: {  	v22 =	vld [tilespmem:$0x160]  }
0x4f: {  	[tilespmem:$0x940] =	vst v0  }
0x50: {  	v0 =	vld.idx.msk [tilespmem:v21+s5+$0x0], $0xffff;
	_ =	sdelay $0x3  }
0x51: {  	v23 =	vld [tilespmem:$0x170]  }
0x52: {  	[tilespmem:$0x950] =	vst v0  }
0x53: {  	v0 =	vld.idx.msk [tilespmem:v22+s5+$0x0], $0xffff;
	_ =	sdelay $0x3  }
0x54: {  	v24 =	vld [tilespmem:$0x180]  }
0x55: {  	[tilespmem:$0x960] =	vst v0  }
0x56: {  	v0 =	vld.idx.msk [tilespmem:v23+s5+$0x0], $0xffff;
	_ =	sdelay $0x3  }
0x57: {  	v25 =	vld [tilespmem:$0x190]  }
0x58: {  	[tilespmem:$0x970] =	vst v0  }
0x59: {  	v0 =	vld.idx.msk [tilespmem:v24+s5+$0x0], $0xffff;
	_ =	sdelay $0x3  }
0x5a: {  	v26 =	vld [tilespmem:$0x1A0]  }
0x5b: {  	[tilespmem:$0x980] =	vst v0  }
0x5c: {  	v0 =	vld.idx.msk [tilespmem:v25+s5+$0x0], $0xffff;
	_ =	sdelay $0x3  }
0x5d: {  	v27 =	vld [tilespmem:$0x1B0]  }
0x5e: {  	[tilespmem:$0x990] =	vst v0  }
0x5f: {  	v0 =	vld.idx.msk [tilespmem:v26+s5+$0x0], $0xffff;
	_ =	sdelay $0x3  }
0x60: {  	v28 =	vld [tilespmem:$0x1C0]  }
0x61: {  	[tilespmem:$0x9A0] =	vst v0  }
0x62: {  	v0 =	vld.idx.msk [tilespmem:v27+s5+$0x0], $0xffff;
	_ =	sdelay $0x3  }
0x63: {  	v29 =	vld [tilespmem:$0x1D0]  }
0x64: {  	[tilespmem:$0x9B0] =	vst v0  }
0x65: {  	v0 =	vld.idx.msk [tilespmem:v28+s5+$0x0], $0xffff;
	_ =	sdelay $0x3  }
0x66: {  	v30 =	vld [tilespmem:$0x1E0]  }
0x67: {  	[tilespmem:$0x9C0] =	vst v0  }
0x68: {  	v0 =	vld.idx.msk [tilespmem:v29+s5+$0x0], $0xffff;
	_ =	sdelay $0x3  }
0x69: {  	v31 =	vld [tilespmem:$0x1F0]  }
0x6a: {  	[tilespmem:$0x9D0] =	vst v0  }
0x6b: {  	v0 =	vld.idx.msk [tilespmem:v30+s5+$0x0], $0xffff;
	_ =	sdelay $0x4  }
0x6c: {  	[tilespmem:$0x9E0] =	vst v0  }
0x6d: {  	v0 =	vld.idx.msk [tilespmem:v31+s5+$0x0], $0xffff;
	_ =	sdelay $0x4  }
0x6e: {  	s29 =	simm.s32 $0x800;
	s6 =	sadd.s32 s6, s7;
	[tilespmem:$0x9F0] =	vst v0  }
0x6f: {  	[hbm4b:s6+s2] =	stream.linear.scatter [tilespmem:s29], [sflag:$0x1], $0x200, $0x38;
	[tilespmem:$0xC00] =	vst v63  }
0x70: {  	v32 =	vld [tilespmem:$0x200];
	_ =	sdelay $0x5  }
0x71: {  	v33 =	vld [tilespmem:$0x210];
	_ =	sdelay $0x1  }
0x72: {  	v0 =	vld.idx.msk [tilespmem:v32+s5+$0x0], $0xffff;
	_ =	sdelay $0x3  }
0x73: {  	v34 =	vld [tilespmem:$0x220]  }
0x74: {  	[tilespmem:$0xA00] =	vst v0  }
0x75: {  	v0 =	vld.idx.msk [tilespmem:v33+s5+$0x0], $0xffff;
	_ =	sdelay $0x3  }
0x76: {  	v35 =	vld [tilespmem:$0x230]  }
0x77: {  	[tilespmem:$0xA10] =	vst v0  }
0x78: {  	v0 =	vld.idx.msk [tilespmem:v34+s5+$0x0], $0xffff;
	_ =	sdelay $0x3  }
0x79: {  	v36 =	vld [tilespmem:$0x240]  }
0x7a: {  	[tilespmem:$0xA20] =	vst v0  }
0x7b: {  	v0 =	vld.idx.msk [tilespmem:v35+s5+$0x0], $0xffff;
	_ =	sdelay $0x3  }
0x7c: {  	v37 =	vld [tilespmem:$0x250]  }
0x7d: {  	[tilespmem:$0xA30] =	vst v0  }
0x7e: {  	v0 =	vld.idx.msk [tilespmem:v36+s5+$0x0], $0xffff;
	_ =	sdelay $0x3  }
0x7f: {  	v38 =	vld [tilespmem:$0x260]  }
0x80: {  	[tilespmem:$0xA40] =	vst v0  }
0x81: {  	v0 =	vld.idx.msk [tilespmem:v37+s5+$0x0], $0xffff;
	_ =	sdelay $0x3  }
0x82: {  	v39 =	vld [tilespmem:$0x270]  }
0x83: {  	[tilespmem:$0xA50] =	vst v0  }
0x84: {  	v0 =	vld.idx.msk [tilespmem:v38+s5+$0x0], $0xffff;
	_ =	sdelay $0x3  }
0x85: {  	v40 =	vld [tilespmem:$0x280]  }
0x86: {  	[tilespmem:$0xA60] =	vst v0  }
0x87: {  	v0 =	vld.idx.msk [tilespmem:v39+s5+$0x0], $0xffff;
	_ =	sdelay $0x3  }
0x88: {  	v41 =	vld [tilespmem:$0x290]  }
0x89: {  	[tilespmem:$0xA70] =	vst v0  }
0x8a: {  	v0 =	vld.idx.msk [tilespmem:v40+s5+$0x0], $0xffff;
	_ =	sdelay $0x3  }
0x8b: {  	v42 =	vld [tilespmem:$0x2A0]  }
0x8c: {  	[tilespmem:$0xA80] =	vst v0  }
0x8d: {  	v0 =	vld.idx.msk [tilespmem:v41+s5+$0x0], $0xffff;
	_ =	sdelay $0x3  }
0x8e: {  	v43 =	vld [tilespmem:$0x2B0]  }
0x8f: {  	[tilespmem:$0xA90] =	vst v0  }
0x90: {  	v0 =	vld.idx.msk [tilespmem:v42+s5+$0x0], $0xffff;
	_ =	sdelay $0x3  }
0x91: {  	v44 =	vld [tilespmem:$0x2C0]  }
0x92: {  	[tilespmem:$0xAA0] =	vst v0  }
0x93: {  	v0 =	vld.idx.msk [tilespmem:v43+s5+$0x0], $0xffff;
	_ =	sdelay $0x3  }
0x94: {  	v45 =	vld [tilespmem:$0x2D0]  }
0x95: {  	[tilespmem:$0xAB0] =	vst v0  }
0x96: {  	v0 =	vld.idx.msk [tilespmem:v44+s5+$0x0], $0xffff;
	_ =	sdelay $0x3  }
0x97: {  	v46 =	vld [tilespmem:$0x2E0]  }
0x98: {  	[tilespmem:$0xAC0] =	vst v0  }
0x99: {  	v0 =	vld.idx.msk [tilespmem:v45+s5+$0x0], $0xffff;
	_ =	sdelay $0x3  }
0x9a: {  	v47 =	vld [tilespmem:$0x2F0]  }
0x9b: {  	[tilespmem:$0xAD0] =	vst v0  }
0x9c: {  	v0 =	vld.idx.msk [tilespmem:v46+s5+$0x0], $0xffff;
	_ =	sdelay $0x3  }
0x9d: {  	v48 =	vld [tilespmem:$0x300]  }
0x9e: {  	[tilespmem:$0xAE0] =	vst v0  }
0x9f: {  	v0 =	vld.idx.msk [tilespmem:v47+s5+$0x0], $0xffff;
	_ =	sdelay $0x3  }
0xa0: {  	v49 =	vld [tilespmem:$0x310]  }
0xa1: {  	[tilespmem:$0xAF0] =	vst v0  }
0xa2: {  	v0 =	vld.idx.msk [tilespmem:v48+s5+$0x0], $0xffff;
	_ =	sdelay $0x3  }
0xa3: {  	v50 =	vld [tilespmem:$0x320]  }
0xa4: {  	[tilespmem:$0xB00] =	vst v0  }
0xa5: {  	v0 =	vld.idx.msk [tilespmem:v49+s5+$0x0], $0xffff;
	_ =	sdelay $0x3  }
0xa6: {  	v51 =	vld [tilespmem:$0x330]  }
0xa7: {  	[tilespmem:$0xB10] =	vst v0  }
0xa8: {  	v0 =	vld.idx.msk [tilespmem:v50+s5+$0x0], $0xffff;
	_ =	sdelay $0x3  }
0xa9: {  	v52 =	vld [tilespmem:$0x340]  }
0xaa: {  	[tilespmem:$0xB20] =	vst v0  }
0xab: {  	v0 =	vld.idx.msk [tilespmem:v51+s5+$0x0], $0xffff;
	_ =	sdelay $0x3  }
0xac: {  	v53 =	vld [tilespmem:$0x350]  }
0xad: {  	[tilespmem:$0xB30] =	vst v0  }
0xae: {  	v0 =	vld.idx.msk [tilespmem:v52+s5+$0x0], $0xffff;
	_ =	sdelay $0x3  }
0xaf: {  	v54 =	vld [tilespmem:$0x360]  }
0xb0: {  	[tilespmem:$0xB40] =	vst v0  }
0xb1: {  	v0 =	vld.idx.msk [tilespmem:v53+s5+$0x0], $0xffff;
	_ =	sdelay $0x3  }
0xb2: {  	v55 =	vld [tilespmem:$0x370]  }
0xb3: {  	[tilespmem:$0xB50] =	vst v0  }
0xb4: {  	v0 =	vld.idx.msk [tilespmem:v54+s5+$0x0], $0xffff;
	_ =	sdelay $0x3  }
0xb5: {  	v56 =	vld [tilespmem:$0x380]  }
0xb6: {  	[tilespmem:$0xB60] =	vst v0  }
0xb7: {  	v0 =	vld.idx.msk [tilespmem:v55+s5+$0x0], $0xffff;
	_ =	sdelay $0x3  }
0xb8: {  	v57 =	vld [tilespmem:$0x390]  }
0xb9: {  	[tilespmem:$0xB70] =	vst v0  }
0xba: {  	v0 =	vld.idx.msk [tilespmem:v56+s5+$0x0], $0xffff;
	_ =	sdelay $0x3  }
0xbb: {  	v58 =	vld [tilespmem:$0x3A0]  }
0xbc: {  	[tilespmem:$0xB80] =	vst v0  }
0xbd: {  	v0 =	vld.idx.msk [tilespmem:v57+s5+$0x0], $0xffff;
	_ =	sdelay $0x3  }
0xbe: {  	v59 =	vld [tilespmem:$0x3B0]  }
0xbf: {  	[tilespmem:$0xB90] =	vst v0  }
0xc0: {  	v0 =	vld.idx.msk [tilespmem:v58+s5+$0x0], $0xffff;
	_ =	sdelay $0x3  }
0xc1: {  	v60 =	vld [tilespmem:$0x3C0]  }
0xc2: {  	[tilespmem:$0xBA0] =	vst v0  }
0xc3: {  	v0 =	vld.idx.msk [tilespmem:v59+s5+$0x0], $0xffff;
	_ =	sdelay $0x3  }
0xc4: {  	v61 =	vld [tilespmem:$0x3D0]  }
0xc5: {  	[tilespmem:$0xBB0] =	vst v0  }
0xc6: {  	v0 =	vld.idx.msk [tilespmem:v60+s5+$0x0], $0xffff;
	_ =	sdelay $0x3  }
0xc7: {  	v62 =	vld [tilespmem:$0x3E0]  }
0xc8: {  	[tilespmem:$0xBC0] =	vst v0  }
0xc9: {  	v0 =	vld.idx.msk [tilespmem:v61+s5+$0x0], $0xffff;
	_ =	sdelay $0x3  }
0xca: {  	v63 =	vld [tilespmem:$0x3F0]  }
0xcb: {  	[tilespmem:$0xBD0] =	vst v0  }
0xcc: {  	v0 =	vld.idx.msk [tilespmem:v62+s5+$0x0], $0xffff;
	_ =	sdelay $0x4  }
0xcd: {  	[tilespmem:$0xBE0] =	vst v0  }
0xce: {  	v0 =	vld.idx.msk [tilespmem:v63+s5+$0x0], $0xffff;
	_ =	sdelay $0x4  }
0xcf: {  	s31 =	simm.s32 $0xA00;
	s30 =	sadd.s32 $0x40, s6;
	[tilespmem:$0xBF0] =	vst v0  }
0xd0: {  	[hbm4b:s30+s2] =	stream.linear.scatter [tilespmem:s31], [sflag:$0x2], $0x200, $0x38;
	[tilespmem:$0xC00] =	vst v63  }
0xd1: {  	_ =	swait.ge [sflag:s26], $0x200  }
0xd2: {  	[sflag:s26] =	ssyncset.done $0x0  }
0xd3: {  	[sflag:s26] =	ssyncadd.s32 $0xFFFFFE00  }
0xd4: {  	_ =	swait.ge [sflag:s28], $0x200  }
0xd5: {  	[sflag:s28] =	ssyncset.done $0x0  }
0xd6: {  	[sflag:s28] =	ssyncadd.s32 $0xFFFFFE00  }
0xd7: {  	_ =	sfence.sel $0x180000  }
0xd8: {  	[bflag:$0x0] =	sbarrier.arrive $0xFFFF  }
0xd9: {  	p0 =	sne.s32 s1, $0x0;
	_ =	strace $0x90000047  }
0xda: {  	s0 =	sadd.s32 @!p0 $0x100000, s0;
	[bflag:$0x2] =	sbarrier.arrive $0xFFFF  }
0xdb: {  	[sflag:s0] =	ssyncadd.tile.s32 @!p0 $0x1;
	_ =	shalt  }
.Lfunc_end2:
_tile_overlayer_lowered:
.L_overlay_start_2:
0xdc: {  	(tag) =	ssettag $0x2  }
0xdd: {  	s0 =	rddreg [dreg:$0x0];
	s2 =	stileid.u32  }
0xde: {  	s1 =	rddreg [dreg:$0x1];
	p0 =	sne.s32 s2, $0x0  }
0xdf: {  	s3 =	rddreg [dreg:$0x2];
	[bflag:$0x3] =	sbarrier.arrive $0xFFFF;
	s2 =	simm.s32 @!p0 $0x1C03  }
0xe0: {  	[timem:s3], [sflag:s2] =	dma.local @!p0 [hbm:s0], s1  }
0xe1: {  	s0 =	simm.s32 @!p0 $0x3  }
0xe2: {  	_ =	swait.ge @!p0 [sflag:s0], s1  }
0xe3: {  	s1 =	ssub.s32 @!p0 $0x0, s1;
	[sflag:s0] =	ssyncset.done @!p0 $0x0  }
0xe4: {  	[sflag:s0] =	ssyncadd.s32 @!p0 s1  }
0xe5: {  	[bflag:$0x3] =	sbarrier.arrive $0xFFFF  }
0xe6: {  	_ =	shalt  }

</sc_bundles>
